<compile_context>
chip_gen: v7x
topology: tpu7x:2x2x1
jax: 0.10.2.dev20260603
libtpu: 0.0.44.dev20260713+nightly
codegen_flags: <defaults>
</compile_context>

<pallas_src>
import functools

import jax
import jax.numpy as jnp
from jax import lax
from jax.experimental import pallas as pl
from jax.experimental.pallas import tpu as pltpu
from jax.experimental.pallas import tpu_sc as plsc

N_FIELDS = 26
FIELD_DIM = 100000
UNIFIED_DIM = 32
BATCH = 4096
TOTAL = BATCH * N_FIELDS

NUM_CORES = 2
NUM_SUBCORES = 16
LANES = 16
NW = NUM_CORES * NUM_SUBCORES
B_PER_W = TOTAL // NW
CHUNK = 128
N_CHUNKS = B_PER_W // CHUNK
VREGS_PER_W = B_PER_W // LANES
OFF_PERIOD = 208
OFF_VREGS = OFF_PERIOD // LANES

_mesh = plsc.VectorSubcoreMesh(core_axis_name="c", subcore_axis_name="s")


@functools.partial(
    pl.kernel,
    mesh=_mesh,
    out_type=jax.ShapeDtypeStruct((TOTAL, UNIFIED_DIM), jnp.float32),
    scratch_types=[
        pltpu.VMEM((B_PER_W,), jnp.int32),
        pltpu.VMEM((OFF_PERIOD,), jnp.int32),
        pltpu.VMEM((B_PER_W, UNIFIED_DIM), jnp.float32),
        pltpu.SemaphoreType.DMA,
    ],
    compiler_params=pltpu.CompilerParams(use_tc_tiling_on_sc=False),
)
def _embed_gather(x_hbm, off_hbm, table_hbm, out_hbm, idx_v, off_v, rows_v, sem):
    wid = lax.axis_index("s") * NUM_CORES + lax.axis_index("c")
    base = wid * B_PER_W

    pltpu.sync_copy(x_hbm.at[pl.ds(base, B_PER_W)], idx_v)
    pltpu.sync_copy(off_hbm, off_v)

    def add_off(i, carry):
        sl = pl.ds(i * LANES, LANES)
        p = lax.rem(i, OFF_VREGS) * LANES
        idx_v[sl] = idx_v[sl] + off_v[pl.ds(p, LANES)]
        return carry

    lax.fori_loop(0, VREGS_PER_W, add_off, 0)

    def fire(j, carry):
        pltpu.async_copy(
            table_hbm.at[idx_v.at[pl.ds(j * CHUNK, CHUNK)]],
            rows_v.at[pl.ds(j * CHUNK, CHUNK)],
            sem,
        )
        return carry

    lax.fori_loop(0, N_CHUNKS, fire, 0)

    def drain(j, carry):
        pltpu.make_async_copy(
            table_hbm.at[idx_v.at[pl.ds(j * CHUNK, CHUNK)]],
            rows_v.at[pl.ds(j * CHUNK, CHUNK)],
            sem,
        ).wait()
        return carry

    lax.fori_loop(0, N_CHUNKS, drain, 0)

    pltpu.sync_copy(rows_v, out_hbm.at[pl.ds(base, B_PER_W)])


def kernel(x_batch, W, embed_offsets):
    x_flat = x_batch.reshape(TOTAL)
    off_row = jnp.concatenate(
        [jnp.zeros((1,), jnp.int32), embed_offsets.astype(jnp.int32)]
    )
    off_tile = jnp.tile(off_row, OFF_PERIOD // N_FIELDS)
    out = _embed_gather(x_flat, off_tile, W)
    return out.reshape(BATCH, N_FIELDS * UNIFIED_DIM)

# --- scband reference (transcript-rebuilt; emitter-appended) ---
"""Pipeline reference for scband-encoder-36438502539605 (READ-ONLY COPY).

The authoritative reference and input builder live on the scoring server;
editing this copy changes nothing except your own understanding.
"""

import jax, jax.numpy as jnp
import numpy as np

N_FIELDS = 26
FIELD_DIM = 100000
UNIFIED_DIM = 32
BATCH = 4096
TOTAL_ROWS = N_FIELDS * FIELD_DIM


def setup_inputs(seed: int = 0) -> dict:
    key = jax.random.key(seed)
    k1, k2 = jax.random.split(key)
    # categorical indices, each column in [0, FIELD_DIM)
    x_batch = jax.random.randint(k1, (BATCH, N_FIELDS), 0, FIELD_DIM, dtype=jnp.int32)
    # unified fast-embed table: Embedding(sum(input_dims), unified_dim), default normal init
    W = jax.random.normal(k2, (TOTAL_ROWS, UNIFIED_DIM), dtype=jnp.float32)
    # embed_dims_cumsum buffer: input_dims.cumsum()[:-1] -> offsets added to columns 1..F-1
    embed_offsets = jnp.cumsum(jnp.full((N_FIELDS,), FIELD_DIM, dtype=jnp.int32))[:-1]
    return {"x_batch": x_batch, "W": W, "embed_offsets": embed_offsets}


def reference(x_batch, W, embed_offsets):
    # Encoder.forward, fast-embed path, no one-hot columns, no cache, no dropout.
    # categorical_columns = x_batch[..., tgt_columns]  (all columns here)
    # indices[..., 1:] += embed_dims_cumsum  -> shift each field into its row range of the unified table
    idx = x_batch.at[..., 1:].add(embed_offsets)
    # F.embedding(column, weights) on the unified table
    emb = jnp.take(W, idx, axis=0)  # [B, F, D]
    # flatten field embeddings to merged embedding_dim = F * D
    embedding = emb.reshape(emb.shape[0], N_FIELDS * UNIFIED_DIM)
    # EncodingResult(one_hot=None, embedding=embedding).merged == embedding
    return embedding

if __name__ == "__main__":
    import jax
    _d = setup_inputs()
    print(jax.jit(kernel)(*tuple(_d.values())))

</pallas_src>

<mosaic_0001>
#map = affine_map<(d0, d1) -> (0)>
#map1 = affine_map<(d0, d1) -> (0, 0)>
module attributes {stable_mosaic.version = 14 : i64} {
  func.func @_embed_gather(%arg0: i32, %arg1: i32, %arg2: memref<106496xi32, #tpu.memory_space<hbm>>, %arg3: memref<208xi32, #tpu.memory_space<hbm>>, %arg4: memref<2600000x32xf32, #tpu.memory_space<hbm>>, %arg5: memref<106496x32xf32, #tpu.memory_space<hbm>>, %arg6: memref<3328xi32, #tpu.memory_space<vmem>>, %arg7: memref<208xi32, #tpu.memory_space<vmem>>, %arg8: memref<3328x32xf32, #tpu.memory_space<vmem>>, %arg9: memref<!tpu.dma_semaphore, #tpu.memory_space<semaphore_mem>>) attributes {dimension_semantics = [#tpu.dimension_semantics<core_parallel>, #tpu.dimension_semantics<subcore_parallel>], iteration_bounds = array<i64: 2, 16>, scalar_prefetch = 0 : i64, scratch_operands = 4 : i64, tpu.core_type = #tpu.core_type<sc_vector_subcore>, window_params = [{transform_indices = #map}, {transform_indices = #map}, {transform_indices = #map1}, {transform_indices = #map1}]} {
    %mul3A = arith.constant 2 : i32
    %mul3A_0 = arith.muli %arg1, %mul3A : i32
    %add3A = arith.addi %mul3A_0, %arg0 : i32
    %mul3A_1 = arith.constant 3328 : i32
    %mul3A_2 = arith.muli %add3A, %mul3A_1 : i32
    "tpu.region"() ({
      %run_scoped3A = tpu.sem_alloc : memref<!tpu.dma_semaphore, #tpu.memory_space<semaphore_mem>>
      %dma_start3A = tpu.memref_slice %arg2[%mul3A_2] : memref<106496xi32, #tpu.memory_space<hbm>> -> memref<3328xi32, #tpu.memory_space<hbm>>
      %dma_start3A_20 = tpu.memref_slice %arg2[%mul3A_2] : memref<106496xi32, #tpu.memory_space<hbm>> -> memref<3328xi32, #tpu.memory_space<hbm>>
      tpu.enqueue_dma source(%dma_start3A_20 : memref<3328xi32, #tpu.memory_space<hbm>>) target(%arg6 : memref<3328xi32, #tpu.memory_space<vmem>>) target_semaphore(%run_scoped3A : memref<!tpu.dma_semaphore, #tpu.memory_space<semaphore_mem>>)
      %dma_wait3A = tpu.memref_slice %arg2[%mul3A_2] : memref<106496xi32, #tpu.memory_space<hbm>> -> memref<3328xi32, #tpu.memory_space<hbm>>
      %dma_wait3A_21 = tpu.memref_slice %arg2[%mul3A_2] : memref<106496xi32, #tpu.memory_space<hbm>> -> memref<3328xi32, #tpu.memory_space<hbm>>
      tpu.wait_dma2 semaphore(%run_scoped3A : memref<!tpu.dma_semaphore, #tpu.memory_space<semaphore_mem>>) src(%dma_wait3A_21 : memref<3328xi32, #tpu.memory_space<hbm>>) dst(%arg6 : memref<3328xi32, #tpu.memory_space<vmem>>)
      tpu.yield
    }) : () -> ()
    "tpu.region"() ({
      %run_scoped3A = tpu.sem_alloc : memref<!tpu.dma_semaphore, #tpu.memory_space<semaphore_mem>>
      tpu.enqueue_dma source(%arg3 : memref<208xi32, #tpu.memory_space<hbm>>) target(%arg7 : memref<208xi32, #tpu.memory_space<vmem>>) target_semaphore(%run_scoped3A : memref<!tpu.dma_semaphore, #tpu.memory_space<semaphore_mem>>)
      tpu.wait_dma2 semaphore(%run_scoped3A : memref<!tpu.dma_semaphore, #tpu.memory_space<semaphore_mem>>) src(%arg3 : memref<208xi32, #tpu.memory_space<hbm>>) dst(%arg7 : memref<208xi32, #tpu.memory_space<vmem>>)
      tpu.yield
    }) : () -> ()
    %scan3A = arith.constant 0 : i32
    %scan3A_3 = arith.constant 0 : i32
    %scan3A_4 = arith.constant 208 : i32
    %scan3A_5 = arith.addi %scan3A_3, %scan3A_4 : i32
    %scan3A_6 = arith.constant 1 : i32
    scf.for %scan3A_20 = %scan3A_3 to %scan3A_5 step %scan3A_6  : i32 {
      %mul3A_21 = arith.constant 16 : i32
      %mul3A_22 = arith.muli %scan3A_20, %mul3A_21 : i32
      %rem3A = arith.constant 13 : i32
      %rem3A_23 = arith.remsi %scan3A_20, %rem3A : i32
      %mul3A_24 = arith.constant 16 : i32
      %mul3A_25 = arith.muli %rem3A_23, %mul3A_24 : i32
      %get3A = arith.index_cast %mul3A_22 : i32 to index
      %get3A_26 = tpu.vector_load %arg6[%get3A] {strides = array<i32>} : memref<3328xi32, #tpu.memory_space<vmem>>, vector<16xi32>,
      %get3A_27 = vector.shape_cast %get3A_26 : vector<16xi32> to vector<16xi32>
      %get3A_28 = arith.index_cast %mul3A_25 : i32 to index
      %get3A_29 = tpu.vector_load %arg7[%get3A_28] {strides = array<i32>} : memref<208xi32, #tpu.memory_space<vmem>>, vector<16xi32>,
      %get3A_30 = vector.shape_cast %get3A_29 : vector<16xi32> to vector<16xi32>
      %add3A_31 = arith.addi %get3A_27, %get3A_30 : vector<16xi32>
      %swap3A = arith.index_cast %mul3A_22 : i32 to index
      %swap3A_32 = tpu.vector_load %arg6[%swap3A] {strides = array<i32>} : memref<3328xi32, #tpu.memory_space<vmem>>, vector<16xi32>,
      %swap3A_33 = vector.shape_cast %swap3A_32 : vector<16xi32> to vector<16xi32>
      %swap3A_34 = vector.shape_cast %add3A_31 : vector<16xi32> to vector<16xi32>
      tpu.vector_store %arg6[%swap3A], %swap3A_34 {strides = array<i32>} : memref<3328xi32, #tpu.memory_space<vmem>>, vector<16xi32>,
    }
    %scan3A_7 = arith.constant 208 : i32
    %scan3A_8 = arith.constant 0 : i32
    %scan3A_9 = arith.constant 0 : i32
    %scan3A_10 = arith.constant 26 : i32
    %scan3A_11 = arith.addi %scan3A_9, %scan3A_10 : i32
    %scan3A_12 = arith.constant 1 : i32
    scf.for %scan3A_20 = %scan3A_9 to %scan3A_11 step %scan3A_12  : i32 {
      %mul3A_21 = arith.constant 128 : i32
      %mul3A_22 = arith.muli %scan3A_20, %mul3A_21 : i32
      %mul3A_23 = arith.constant 128 : i32
      %mul3A_24 = arith.muli %scan3A_20, %mul3A_23 : i32
      %dma_start3A = arith.constant 0 : i32
      %dma_start3A_25 = tpu.memref_slice %arg8[%mul3A_24, %dma_start3A] : memref<3328x32xf32, #tpu.memory_space<vmem>> -> memref<128x32xf32, #tpu.memory_space<vmem>>
      %dma_start3A_26 = tpu.memref_slice %arg6[%mul3A_22] : memref<3328xi32, #tpu.memory_space<vmem>> -> memref<128xi32, #tpu.memory_space<vmem>>
      %dma_start3A_27 = arith.constant 0 : i32
      %dma_start3A_28 = arith.constant 0 : i32
      %dma_start3A_29 = tpu.memref_slice %arg4[%dma_start3A_27, %dma_start3A_28] : memref<2600000x32xf32, #tpu.memory_space<hbm>> -> memref<2600000x32xf32, #tpu.memory_space<hbm>>
      tpu.enqueue_indirect_dma source(%dma_start3A_29 : memref<2600000x32xf32, #tpu.memory_space<hbm>>) target(%dma_start3A_25 : memref<128x32xf32, #tpu.memory_space<vmem>>) offsets(%dma_start3A_26 : memref<128xi32, #tpu.memory_space<vmem>>) semaphore(%arg9 : memref<!tpu.dma_semaphore, #tpu.memory_space<semaphore_mem>>)
    }
    %scan3A_13 = arith.constant 26 : i32
    %scan3A_14 = arith.constant 0 : i32
    %scan3A_15 = arith.constant 0 : i32
    %scan3A_16 = arith.constant 26 : i32
    %scan3A_17 = arith.addi %scan3A_15, %scan3A_16 : i32
    %scan3A_18 = arith.constant 1 : i32
    scf.for %scan3A_20 = %scan3A_15 to %scan3A_17 step %scan3A_18  : i32 {
      %mul3A_21 = arith.constant 128 : i32
      %mul3A_22 = arith.muli %scan3A_20, %mul3A_21 : i32
      %mul3A_23 = arith.constant 128 : i32
      %mul3A_24 = arith.muli %scan3A_20, %mul3A_23 : i32
      %dma_wait3A = arith.constant 0 : i32
      %dma_wait3A_25 = tpu.memref_slice %arg8[%mul3A_24, %dma_wait3A] : memref<3328x32xf32, #tpu.memory_space<vmem>> -> memref<128x32xf32, #tpu.memory_space<vmem>>
      %dma_wait3A_26 = tpu.memref_slice %arg6[%mul3A_22] : memref<3328xi32, #tpu.memory_space<vmem>> -> memref<128xi32, #tpu.memory_space<vmem>>
      %dma_wait3A_27 = arith.constant 0 : i32
      %dma_wait3A_28 = arith.constant 0 : i32
      %dma_wait3A_29 = tpu.memref_slice %arg4[%dma_wait3A_27, %dma_wait3A_28] : memref<2600000x32xf32, #tpu.memory_space<hbm>> -> memref<2600000x32xf32, #tpu.memory_space<hbm>>
      tpu.wait_indirect_dma semaphore(%arg9 : memref<!tpu.dma_semaphore, #tpu.memory_space<semaphore_mem>>) src(%dma_wait3A_29 : memref<2600000x32xf32, #tpu.memory_space<hbm>>) dst(%dma_wait3A_25 : memref<128x32xf32, #tpu.memory_space<vmem>>)
    }
    %scan3A_19 = arith.constant 26 : i32
    "tpu.region"() ({
      %run_scoped3A = tpu.sem_alloc : memref<!tpu.dma_semaphore, #tpu.memory_space<semaphore_mem>>
      %dma_start3A = arith.constant 0 : i32
      %dma_start3A_20 = tpu.memref_slice %arg5[%mul3A_2, %dma_start3A] : memref<106496x32xf32, #tpu.memory_space<hbm>> -> memref<3328x32xf32, #tpu.memory_space<hbm>>
      %dma_start3A_21 = arith.constant 0 : i32
      %dma_start3A_22 = tpu.memref_slice %arg5[%mul3A_2, %dma_start3A_21] : memref<106496x32xf32, #tpu.memory_space<hbm>> -> memref<3328x32xf32, #tpu.memory_space<hbm>>
      tpu.enqueue_dma source(%arg8 : memref<3328x32xf32, #tpu.memory_space<vmem>>) target(%dma_start3A_22 : memref<3328x32xf32, #tpu.memory_space<hbm>>) target_semaphore(%run_scoped3A : memref<!tpu.dma_semaphore, #tpu.memory_space<semaphore_mem>>)
      %dma_wait3A = arith.constant 0 : i32
      %dma_wait3A_23 = tpu.memref_slice %arg5[%mul3A_2, %dma_wait3A] : memref<106496x32xf32, #tpu.memory_space<hbm>> -> memref<3328x32xf32, #tpu.memory_space<hbm>>
      %dma_wait3A_24 = arith.constant 0 : i32
      %dma_wait3A_25 = tpu.memref_slice %arg5[%mul3A_2, %dma_wait3A_24] : memref<106496x32xf32, #tpu.memory_space<hbm>> -> memref<3328x32xf32, #tpu.memory_space<hbm>>
      tpu.wait_dma2 semaphore(%run_scoped3A : memref<!tpu.dma_semaphore, #tpu.memory_space<semaphore_mem>>) src(%arg8 : memref<3328x32xf32, #tpu.memory_space<vmem>>) dst(%dma_wait3A_25 : memref<3328x32xf32, #tpu.memory_space<hbm>>)
      tpu.yield
    }) : () -> ()
    return
  }
}

</mosaic_0001>

<sc_bundles>
// kernel: kernel.3.cloned.1.call-start
scs
__scs_entry_jumppad:
0x0: {  	(pc) =	sbr.rel $0x88, $3  }
0x1: {  	(tag) =	ssettag $0x0;
	lr =	simm.s32 $0x1  }
0x2: {  	[smem:$0x3F9E] =	sst lr;
	_ =	strace $0xD0000000  }
0x3: {  	_ = 	snop  }
0x4: {  	_ = 	snop  }
0x5: {  	_ = 	snop  }
0x6: {  	_ = 	snop  }
0x7: {  	_ = 	snop  }
__scs_overlays_trampoline_lowered:
0x8: {  	[smem:$0x3FAD] =	sst s0  }
0x9: {  	[smem:$0x3FAE] =	sst s1  }
0xa: {  	[smem:$0x3FAF] =	sst s2  }
0xb: {  	[smem:$0x3FB0] =	sst s3  }
0xc: {  	[smem:$0x3FB1] =	sst s4  }
0xd: {  	[smem:$0x3FB2] =	sst s5  }
0xe: {  	[smem:$0x3FB3] =	sst s6  }
0xf: {  	[smem:$0x3FB4] =	sst s7  }
0x10: {  	[smem:$0x3FB5] =	sst s8  }
0x11: {  	[smem:$0x3FB6] =	sst s9;
	s0 =	simm.s32 @!p0 $0x0  }
0x12: {  	s1 =	sld [smem:$0x3F9C];
	s0 =	simm.s32 @p0 $0x1  }
0x13: {  	[smem:$0x3FB7] =	sst s0;
	s0 =	simm.s32 @!p1 $0x0  }
0x14: {  	s2 =	sld [smem:$0x3F9B];
	s0 =	simm.s32 @p1 $0x1  }
0x15: {  	[smem:$0x3FB8] =	sst s0;
	s0 =	simm.s32 @!p2 $0x0  }
0x16: {  	s3 =	sld [smem:$0x3FDB];
	s0 =	simm.s32 @p2 $0x1  }
0x17: {  	s4 =	simm.s32 $0x1BF5;
	[smem:$0x3FBA] =	sst s0  }
0x18: {  	s0 =	sld [smem:$0x3F9D];
	_ =	swait.ge [sflag:s4], $0x0  }
0x19: {  	s7 =	sld [smem:$0x3F9E]  }
0x1a: {  	s8 =	sadd.s32 $0xFFFFE003, lr  }
0x1b: {  	s9 =	sadd.s32 $0xFFFFFEF7, lr;
	s5 =	simm.s32 $0xFFFFFFFF;
	p2 =	slt.u32 s8, $0xFFFFF086  }
0x1c: {  	p1 =	slt.u32 s9, $0xF7A;
	s5 =	simm.s32 @!p2 $0x0  }
0x1d: {  	s5 =	simm.s32 @p1 $0x1;
	p0 =	seq.s32 s7, s2  }
0x1e: {  	s7 =	smul.u32 @!p0 $0xF7A, s2;
	p2 =	seq.s32 @!p0 s5, $0x0  }
0x1f: {  	s9 =	smul.u32 $0xF7A, s1;
	s8 =	simm.s32 @!p0 $0x1BF5;
	p2 =	por !p2, p0  }
0x20: {  	[sflag:s8] =	ssyncset.s32 @!p0 $0xFFFFF086;
	s6 =	sadd.s32 @!p0 s3, s7;
	s7 =	simm.s32 @!p0 $0x108  }
0x21: {  	s3 =	sadd.s32 s3, s9;
	s6 =	sadd.s32 @!p0 $0x88, s6;
	s7 =	simm.s32 @p2 $0x1082  }
0x22: {  	[simem:s7], [sflag:s8] =	dma.local @!p0 [hbm:s6], $0xF7A  }
0x23: {  	s9 =	sor.u32 $0xD0000000, s2;
	s6 =	simm.s32 $0x108;
	_ =	swait.ge @!p0 [sflag:s8], $0x0  }
0x24: {  	s3 =	sadd.s32 $0x88, s3;
	s6 =	simm.s32 @!p1 $0x1082;
	[sflag:s4] =	ssyncset.s32 $0xFFFFF086  }
0x25: {  	[simem:s6], [sflag:s4] =	dma.local [hbm:s3], $0xF7A  }
0x26: {  	[smem:$0x3F9E] =	sst s1;
	(tag) =	ssettag s2;
	_ =	strace s9  }
0x27: {  	s1 =	sld [smem:$0x3FAE]  }
0x28: {  	s2 =	sld [smem:$0x3FAF]  }
0x29: {  	s4 =	sld [smem:$0x3FB1]  }
0x2a: {  	p0 =	seq.s32 s5, $0x0;
	s5 =	sld [smem:$0x3FB2]  }
0x2b: {  	s6 =	sld [smem:$0x3FB3]  }
0x2c: {  	s7 =	sld [smem:$0x3FB4]  }
0x2d: {  	s3 =	simm.s32 $0x108;
	s8 =	sld [smem:$0x3FB5]  }
0x2e: {  	s3 =	simm.s32 @!p0 $0x1082;
	s9 =	sld [smem:$0x3FB6]  }
0x2f: {  	lr =	sadd.s32 s0, s3;
	s0 =	sld [smem:$0x3FAD]  }
0x30: {  	s3 =	sld [smem:$0x3FB0]  }
0x31: {  	[smem:$0x3FB9] =	sst s10  }
0x32: {  	s10 =	sld [smem:$0x3FB7];
	_ =	sdelay $0x3  }
0x33: {  	p0 =	seq.s32 s10, $0x1;
	s10 =	sld [smem:$0x3FB9];
	_ =	sdelay $0x3  }
0x34: {  	[smem:$0x3FB9] =	sst s10  }
0x35: {  	s10 =	sld [smem:$0x3FB8];
	_ =	sdelay $0x3  }
0x36: {  	p1 =	seq.s32 s10, $0x1;
	s10 =	sld [smem:$0x3FB9];
	_ =	sdelay $0x3  }
0x37: {  	[smem:$0x3FB9] =	sst s10  }
0x38: {  	s10 =	sld [smem:$0x3FBA]  }
0x39: {  	_ = 	snop;
	(pc) =	sbr.ind lr, $3  }
0x3a: {  	_ = 	snop  }
0x3b: {  	_ = 	snop  }
0x3c: {  	p2 =	seq.s32 s10, $0x1;
	s10 =	sld [smem:$0x3FB9]  }
0x3d: {  	_ =	shalt  }
0x3e: {  	_ =	shalt  }
0x3f: {  	_ =	shalt  }
0x40: {  	_ =	shalt  }
0x41: {  	_ =	shalt  }
0x42: {  	_ =	shalt  }
0x43: {  	_ =	shalt  }
0x44: {  	_ =	shalt  }
0x45: {  	_ =	shalt  }
0x46: {  	_ =	shalt  }
0x47: {  	_ =	shalt  }
0x48: {  	_ =	shalt  }
0x49: {  	_ =	shalt  }
0x4a: {  	_ =	shalt  }
0x4b: {  	_ =	shalt  }
0x4c: {  	_ =	shalt  }
0x4d: {  	_ =	shalt  }
0x4e: {  	_ =	shalt  }
0x4f: {  	_ =	shalt  }
0x50: {  	_ =	shalt  }
0x51: {  	_ =	shalt  }
0x52: {  	_ =	shalt  }
0x53: {  	_ =	shalt  }
0x54: {  	_ =	shalt  }
0x55: {  	_ =	shalt  }
0x56: {  	_ =	shalt  }
0x57: {  	_ =	shalt  }
0x58: {  	_ =	shalt  }
0x59: {  	_ =	shalt  }
0x5a: {  	_ =	shalt  }
0x5b: {  	_ =	shalt  }
0x5c: {  	_ =	shalt  }
0x5d: {  	_ =	shalt  }
0x5e: {  	_ =	shalt  }
0x5f: {  	_ =	shalt  }
0x60: {  	_ =	shalt  }
0x61: {  	_ =	shalt  }
0x62: {  	_ =	shalt  }
0x63: {  	_ =	shalt  }
0x64: {  	_ =	shalt  }
0x65: {  	_ =	shalt  }
0x66: {  	_ =	shalt  }
0x67: {  	_ =	shalt  }
0x68: {  	_ =	shalt  }
0x69: {  	_ =	shalt  }
0x6a: {  	_ =	shalt  }
0x6b: {  	_ =	shalt  }
0x6c: {  	_ =	shalt  }
0x6d: {  	_ =	shalt  }
0x6e: {  	_ =	shalt  }
0x6f: {  	_ =	shalt  }
0x70: {  	_ =	shalt  }
0x71: {  	_ =	shalt  }
0x72: {  	_ =	shalt  }
0x73: {  	_ =	shalt  }
0x74: {  	_ =	shalt  }
0x75: {  	_ =	shalt  }
0x76: {  	_ =	shalt  }
0x77: {  	_ =	shalt  }
0x78: {  	_ =	shalt  }
0x79: {  	_ =	shalt  }
0x7a: {  	_ =	shalt  }
0x7b: {  	_ =	shalt  }
0x7c: {  	_ =	shalt  }
0x7d: {  	_ =	shalt  }
0x7e: {  	_ =	shalt  }
0x7f: {  	_ =	shalt  }
0x80: {  	_ =	shalt  }
0x81: {  	_ =	shalt  }
0x82: {  	_ =	shalt  }
0x83: {  	_ =	shalt  }
0x84: {  	_ =	shalt  }
0x85: {  	_ =	shalt  }
0x86: {  	_ =	shalt  }
0x87: {  	_ =	shalt  }
.Lfunc_end0:
.L_simem_size_0:
called_computation_lowered:
.L_overlay_start_0:
0x88: {  	s2 =	sld [smem:$0x3FD9]  }
0x89: {  	s3 =	sld [smem:$0x3FFE];
	_ =	sdelay $0x1  }
0x8a: {  	s1 =	srdreg.scid  }
0x8b: {  	s0 =	sand.u32 $0x1, s1  }
0x8c: {  	s17 =	sshll.u32 s0, $0xA;
	s2 =	sadd.s32 s3, s2  }
0x8d: {  	s2 =	sadd.s32 s2, s17  }
0x8e: {  	[smem:$0x3FC5] =	sst s2  }
0x8f: {  	_ = 	snop  }
0x90: {  	s2 =	sld [smem:$0x3FD0];
	(tm) =	ssettm $0x1  }
0x91: {  	s18 =	sld [smem:$0x3FFB];
	_ =	sdelay $0x3  }
0x92: {  	_ =	strace s18  }
0x93: {  	s3 =	sld [smem:$0x3FFC];
	_ =	sdelay $0x3  }
0x94: {  	_ =	strace s3  }
0x95: {  	s3 =	sld [smem:$0x3FFD];
	_ =	sdelay $0x3  }
0x96: {  	_ =	strace s3  }
0x97: {  	_ =	strace $0x8FFFFFFF  }
0x98: {  	s19 =	sld [smem:$0x3FDB];
	_ =	sdelay $0x1  }
0x99: {  	s4 =	simm.s32 $_scs_section_size  }
0x9a: {  	s5 =	simm.s32 $_size__tile_overlayer_lowered;
	s6 =	simm.s32 $_tile_overlayer_lowered  }
0x9b: {  	s22 =	simm.s32 $0x1BFF;
	s21 =	sshll.u32 s6, $0x1;
	s3 =	sadd.s32 s4, s19  }
0x9c: {  	s7 =	simm.s32 $0x0;
	s20 =	sshll.u32 s5, $0x1;
	s5 =	sadd.s32 s21, s3  }
0x9d: {  	[timem:s7], [sflag:s22] =	dma.local [hbm:s5], s20  }
0x9e: {  	_ =	swait.ge [sflag:s22], s20  }
0x9f: {  	s4 =	ssub.s32 $0x0, s20;
	[sflag:s22] =	ssyncset.done $0x0  }
0xa0: {  	[sflag:s22] =	ssyncadd.s32 s4;
	_ =	sdelay $0x1  }
0xa1: {  	s23 =	simm.s32 $0x1B8B  }
0xa2: {  	_ =	swait.ge [sflag:s23], $0x1  }
0xa3: {  	[sflag:s23] =	ssyncset.done $0x0  }
0xa4: {  	s25 =	simm.s32 $0x1B8E;
	s24 =	sld [smem:$0x3FFE];
	[sflag:s23] =	ssyncadd.s32 $0xFFFFFFFF  }
0xa5: {  	s26 =	simm.s32 $execute0_lowered;
	[smem:$0x3FD2] =	sst s25  }
0xa6: {  	s5 =	sshll.u32 s26, $0x1;
	_ =	strace $0x80000046;
	[dreg:$0x1] =	wrdreg $0xFFFFFFFF  }
0xa7: {  	s28 =	simm.s32 $_size_execute0_lowered;
	s3 =	sadd.s32 s3, s5;
	[dreg:$0x0] =	wrdreg $0x0  }
0xa8: {  	s5 =	sshll.u32 s28, $0x1;
	[dreg:$0x2] =	wrdreg s3  }
0xa9: {  	[dreg:$0x3] =	wrdreg s5  }
0xaa: {  	[dreg:$0x4] =	wrdreg $0xC0  }
0xab: {  	_ =	task [dreg:s7], $0x5FFFF  }
0xac: {  	[dreg:$0x1] =	wrdreg $0xFFFFFFFF  }
0xad: {  	[dreg:$0x0] =	wrdreg $0x60  }
0xae: {  	[dreg:$0x2] =	wrdreg s24  }
0xaf: {  	[dreg:$0x3] =	wrdreg s2  }
0xb0: {  	[dreg:$0x4] =	wrdreg $0x9  }
0xb1: {  	_ =	task.clear_ibuf [dreg:s7], $0x5FFFF;
	_ =	strace $0x90000046  }
0xb2: {  	s29 =	simm.s32 $0x9;
	_ =	strace $0x80000048  }
0xb3: {  	_ =	swait.ge [sflag:s29], $0x1  }
0xb4: {  	[sflag:s29] =	ssyncadd.s32 $0xFFFFFFFF  }
0xb5: {  	_ =	strace $0x90000048  }
0xb6: {  	_ =	sfence  }
0xb7: {  	s30 =	sld [smem:$0x0];
	_ =	sdelay $0x2  }
0xb8: {  	s31 =	sshll.u32 s1, $0xD;
	s1 =	sshrl.u32 s1, $0x2  }
0xb9: {  	s3 =	sand.u32 $0x4000, s31;
	s1 =	sadd.s32 s1, s30  }
0xba: {  	s0 =	sor.u32 s3, s0;
	s1 =	sshll.u32 s1, $0x11  }
0xbb: {  	s0 =	sor.u32 s1, s0  }
0xbc: {  	s0 =	sadd.s32 $0x8F2B, s0  }
0xbd: {  	[sflag:s0] =	ssyncadd.remote.s32 $0x1  }
0xbe: {  	_ =	sfence.sel $0xFFFF  }
0xbf: {  	[dreg:$0x0] =	wrdreg $0xFFFFFFFF;
	(pc) =	sbr.abs _section_cstart, $3  }
0xc0: {  	[dreg:$0x1] =	wrdreg $0xFFFFFFFF  }
0xc1: {  	_ =	task.clear_ibuf [dreg:s7], $0x2FFFF;
	_ =	strace $0x9FFFFFFF  }
0xc2: {  	(tm) =	ssettm $0x7FFFFFFF  }
0xc3: {  	_ =	shalt  }
tec
execute0_lowered:
.L_overlay_start_1:
0x0: {  	(tag) =	ssettag $0x1  }
0x1: {  	s0 =	srdreg.scid;
	s1 =	rddreg [dreg:$0x0]  }
0x2: {  	s2 =	stileid.u32;
	s6 =	rddreg [dreg:$0x1];
	s10 =	simm.s32 $0x80  }
0x3: {  	s11 =	simm.s32 $0xDD0;
	s24 =	simm.s32 $0x12DD0;
	s25 =	simm.s32 $0x980  }
0x4: {  	s26 =	simm.s32 $0x13DD0;
	s28 =	simm.s32 $0xA00;
	s29 =	simm.s32 $0x14DD0  }
0x5: {  	s30 =	simm.s32 $0xA80;
	s31 =	simm.s32 $0x15DD0;
	s9 =	simm.s32 $0xB80  }
0x6: {  	s12 =	simm.s32 $0x17DD0;
	s13 =	simm.s32 $0xC00;
	s14 =	simm.s32 $0x18DD0  }
0x7: {  	s15 =	simm.s32 $0xC80;
	s0 =	sand.u32 $0x1, s0;
	s2 =	sshll.u32 s2, $0x1  }
0x8: {  	s16 =	simm.s32 $0x19DD0;
	s17 =	simm.s32 $0x1;
	s4 =	sor.u32 s0, s2  }
0x9: {  	s18 =	simm.s32 $0x0;
	s2 =	simm.s32 $0x0;
	s3 =	smul.u32 $0x1A0, s4  }
0xa: {  	s0 =	ssub.s32 $0x2, s0;
	[smem:$0x7FF] =	sst s2;
	s8 =	smul.u32 $0x3400, s4  }
0xb: {  	s7 =	sshrl.u32 s0, $0x1;
	s4 =	sadd.s32 $0x27ACC00, s1;
	_ =	strace $0x80000047  }
0xc: {  	s0 =	ssub.s32 s0, s7;
	s5 =	sadd.s32 s3, s1;
	s3 =	sadd.s32 $0x3C00, s1  }
0xd: {  	s6 =	sadd.s32 s6, s8;
	s7 =	smax.u32 s0, $0x1;
	s8 =	simm.s32 $0x2  }
0xe: {  	s1 =	simm.s32 $0xB00;
	s0 =	simm.s32 $0x16DD0;
	s5 =	sadd.s32 $0x800, s5  }
.LBB2_1:
0xf: {  	[tilespmem:s2], [sflag:$0x2] =	stream.linear.gather [hbm4b:s5+s2], $0xD00, $0x38;
	[tilespmem:$0x1ADD0] =	vst v63  }
0x10: {  	s19 =	smul.u32 $0x4F, s2  }
0x11: {  	_ =	swait.ge [sflag:s8], $0xD00  }
0x12: {  	[sflag:s8] =	ssyncset.done $0x0;
	s19 =	sshrl.u32 s19, $0xA  }
0x13: {  	s20 =	simm.s32 $0xD00;
	[sflag:s8] =	ssyncadd.s32 $0xFFFFF300;
	s19 =	smul.u32 $0xD, s19  }
0x14: {  	[tilespmem:s20], [sflag:$0x2] =	stream.linear.gather [hbm4b:s3+s2], $0xD0, $0x38;
	[tilespmem:$0x1ADD0] =	vst v63  }
0x15: {  	_ =	swait.ge [sflag:s8], $0xD0;
	s19 =	ssub.s32 $0x0, s19  }
0x16: {  	[sflag:s8] =	ssyncset.done $0x0;
	s19 =	sand.u32 $0x2F, s19  }
0x17: {  	s20 =	simm.s32 $0x1;
	[sflag:s8] =	ssyncadd.s32 $0xFFFFFF30;
	s19 =	sshll.u32 s19, $0x4  }
0x18: {  	s22 =	smul.u32 $0x4F, s20;
	v0 =	vld [tilespmem:s19+$0xD00]  }
0x19: {  	s21 =	simm.s32 $0x2;
	v1 =	vld [tilespmem:s2+$0x0];
	s19 =	simm.s32 $0x0  }
.LBB2_2:
0x1a: {  	p0 =	sne.s32 s21, $0xCF;
	s22 =	sshrl.u32 s22, $0xA  }
0x1b: {  	s22 =	smul.u32 $0xD, s22;
	_ =	sdelay $0x1  }
.Ltmp0:
0x1c: {  	s22 =	ssub.s32 s20, s22;
	s20 =	smov.u32 s21;
	(pc) =	sbr.rel @p0 .LBB2_2-.Ltmp0, $4  }
0x1d: {  	s22 =	sand.u32 $0x2F, s22;
	v0 =	vadd.s32 v1, v0  }
0x1e: {  	s23 =	sshll.u32 s22, $0x4;
	[tilespmem:s19+$0x0] =	vst v0  }
0x1f: {  	s22 =	smul.u32 $0x4F, s21;
	s19 =	sadd.s32 $0x10, s19;
	v0 =	vld [tilespmem:s23+$0xD00]  }
0x20: {  	s21 =	sadd.s32 $0x1, s21;
	v1 =	vld [tilespmem:s19+$0x0]  }
0x21: {  	s21 =	sshrl.u32 s22, $0xA  }
0x22: {  	s21 =	smul.u32 $0xD, s21;
	_ =	sdelay $0x1  }
0x23: {  	s20 =	ssub.s32 s20, s21  }
0x24: {  	s20 =	sand.u32 $0x2F, s20;
	v0 =	vadd.s32 v1, v0  }
0x25: {  	s20 =	sshll.u32 s20, $0x4;
	[tilespmem:s19+$0x0] =	vst v0  }
0x26: {  	v0 =	vld [tilespmem:s20+$0xD00];
	s20 =	sadd.s32 $0x10, s19  }
0x27: {  	v63 =	vld [tilespmem:s20+$0x0];
	_ =	sdelay $0x4  }
0x28: {  	v0 =	vadd.s32 v63, v0  }
0x29: {  	[tilespmem:s20+$0x0] =	vst v0  }
0x2a: {  	[tilespmem:s11], [sflag:$0x1] =	stream.indirect.gather [hbm4b:s4+s10], $0x20, s2, s10, $0xb8;
	[tilespmem:$0x1ADD0] =	vst v63  }
0x2b: {  	s21 =	simm.s32 $0x1DD0  }
0x2c: {  	[tilespmem:s21], [sflag:$0x1] =	stream.indirect.gather [hbm4b:s4+s10], $0x20, s10, s10, $0xb8;
	[tilespmem:$0x1ADD0] =	vst v63  }
0x2d: {  	s22 =	simm.s32 $0x100;
	s23 =	simm.s32 $0x2DD0  }
0x2e: {  	[tilespmem:s23], [sflag:$0x1] =	stream.indirect.gather [hbm4b:s4+s10], $0x20, s22, s10, $0xb8;
	[tilespmem:$0x1ADD0] =	vst v63  }
0x2f: {  	s20 =	simm.s32 $0x180;
	s21 =	simm.s32 $0x3DD0  }
0x30: {  	[tilespmem:s21], [sflag:$0x1] =	stream.indirect.gather [hbm4b:s4+s10], $0x20, s20, s10, $0xb8;
	[tilespmem:$0x1ADD0] =	vst v63  }
0x31: {  	s22 =	simm.s32 $0x200;
	s23 =	simm.s32 $0x4DD0  }
0x32: {  	[tilespmem:s23], [sflag:$0x1] =	stream.indirect.gather [hbm4b:s4+s10], $0x20, s22, s10, $0xb8;
	[tilespmem:$0x1ADD0] =	vst v63  }
0x33: {  	s20 =	simm.s32 $0x280;
	s21 =	simm.s32 $0x5DD0  }
0x34: {  	[tilespmem:s21], [sflag:$0x1] =	stream.indirect.gather [hbm4b:s4+s10], $0x20, s20, s10, $0xb8;
	[tilespmem:$0x1ADD0] =	vst v63  }
0x35: {  	s22 =	simm.s32 $0x300;
	s23 =	simm.s32 $0x6DD0  }
0x36: {  	[tilespmem:s23], [sflag:$0x1] =	stream.indirect.gather [hbm4b:s4+s10], $0x20, s22, s10, $0xb8;
	[tilespmem:$0x1ADD0] =	vst v63  }
0x37: {  	s20 =	simm.s32 $0x380;
	s21 =	simm.s32 $0x7DD0  }
0x38: {  	[tilespmem:s21], [sflag:$0x1] =	stream.indirect.gather [hbm4b:s4+s10], $0x20, s20, s10, $0xb8;
	[tilespmem:$0x1ADD0] =	vst v63  }
0x39: {  	s22 =	simm.s32 $0x400;
	s23 =	simm.s32 $0x8DD0  }
0x3a: {  	[tilespmem:s23], [sflag:$0x1] =	stream.indirect.gather [hbm4b:s4+s10], $0x20, s22, s10, $0xb8;
	[tilespmem:$0x1ADD0] =	vst v63  }
0x3b: {  	s20 =	simm.s32 $0x480;
	s21 =	simm.s32 $0x9DD0  }
0x3c: {  	[tilespmem:s21], [sflag:$0x1] =	stream.indirect.gather [hbm4b:s4+s10], $0x20, s20, s10, $0xb8;
	[tilespmem:$0x1ADD0] =	vst v63  }
0x3d: {  	s22 =	simm.s32 $0x500;
	s23 =	simm.s32 $0xADD0  }
0x3e: {  	[tilespmem:s23], [sflag:$0x1] =	stream.indirect.gather [hbm4b:s4+s10], $0x20, s22, s10, $0xb8;
	[tilespmem:$0x1ADD0] =	vst v63  }
0x3f: {  	s20 =	simm.s32 $0x580;
	s21 =	simm.s32 $0xBDD0  }
0x40: {  	[tilespmem:s21], [sflag:$0x1] =	stream.indirect.gather [hbm4b:s4+s10], $0x20, s20, s10, $0xb8;
	[tilespmem:$0x1ADD0] =	vst v63  }
0x41: {  	s22 =	simm.s32 $0x600;
	s23 =	simm.s32 $0xCDD0  }
0x42: {  	[tilespmem:s23], [sflag:$0x1] =	stream.indirect.gather [hbm4b:s4+s10], $0x20, s22, s10, $0xb8;
	[tilespmem:$0x1ADD0] =	vst v63  }
0x43: {  	s20 =	simm.s32 $0x680;
	s21 =	simm.s32 $0xDDD0  }
0x44: {  	[tilespmem:s21], [sflag:$0x1] =	stream.indirect.gather [hbm4b:s4+s10], $0x20, s20, s10, $0xb8;
	[tilespmem:$0x1ADD0] =	vst v63  }
0x45: {  	s22 =	simm.s32 $0x700;
	s23 =	simm.s32 $0xEDD0  }
0x46: {  	[tilespmem:s23], [sflag:$0x1] =	stream.indirect.gather [hbm4b:s4+s10], $0x20, s22, s10, $0xb8;
	[tilespmem:$0x1ADD0] =	vst v63  }
0x47: {  	s20 =	simm.s32 $0x780;
	s21 =	simm.s32 $0xFDD0  }
0x48: {  	[tilespmem:s21], [sflag:$0x1] =	stream.indirect.gather [hbm4b:s4+s10], $0x20, s20, s10, $0xb8;
	[tilespmem:$0x1ADD0] =	vst v63  }
0x49: {  	s22 =	simm.s32 $0x800;
	s23 =	simm.s32 $0x10DD0  }
0x4a: {  	[tilespmem:s23], [sflag:$0x1] =	stream.indirect.gather [hbm4b:s4+s10], $0x20, s22, s10, $0xb8;
	[tilespmem:$0x1ADD0] =	vst v63  }
0x4b: {  	s21 =	simm.s32 $0x880;
	s22 =	simm.s32 $0x11DD0  }
0x4c: {  	[tilespmem:s22], [sflag:$0x1] =	stream.indirect.gather [hbm4b:s4+s10], $0x20, s21, s10, $0xb8;
	[tilespmem:$0x1ADD0] =	vst v63  }
0x4d: {  	s23 =	simm.s32 $0x900  }
0x4e: {  	[tilespmem:s24], [sflag:$0x1] =	stream.indirect.gather [hbm4b:s4+s10], $0x20, s23, s10, $0xb8;
	[tilespmem:$0x1ADD0] =	vst v63  }
0x4f: {  	_ = 	snop  }
0x50: {  	[tilespmem:s26], [sflag:$0x1] =	stream.indirect.gather [hbm4b:s4+s10], $0x20, s25, s10, $0xb8;
	[tilespmem:$0x1ADD0] =	vst v63  }
0x51: {  	_ = 	snop  }
0x52: {  	[tilespmem:s29], [sflag:$0x1] =	stream.indirect.gather [hbm4b:s4+s10], $0x20, s28, s10, $0xb8;
	[tilespmem:$0x1ADD0] =	vst v63  }
0x53: {  	_ = 	snop  }
0x54: {  	[tilespmem:s31], [sflag:$0x1] =	stream.indirect.gather [hbm4b:s4+s10], $0x20, s30, s10, $0xb8;
	[tilespmem:$0x1ADD0] =	vst v63  }
0x55: {  	_ = 	snop  }
0x56: {  	[tilespmem:s0], [sflag:$0x1] =	stream.indirect.gather [hbm4b:s4+s10], $0x20, s1, s10, $0xb8;
	[tilespmem:$0x1ADD0] =	vst v63  }
0x57: {  	_ = 	snop  }
0x58: {  	[tilespmem:s12], [sflag:$0x1] =	stream.indirect.gather [hbm4b:s4+s10], $0x20, s9, s10, $0xb8;
	[tilespmem:$0x1ADD0] =	vst v63  }
0x59: {  	_ = 	snop  }
0x5a: {  	[tilespmem:s14], [sflag:$0x1] =	stream.indirect.gather [hbm4b:s4+s10], $0x20, s13, s10, $0xb8;
	[tilespmem:$0x1ADD0] =	vst v63  }
0x5b: {  	_ = 	snop  }
0x5c: {  	[tilespmem:s16], [sflag:$0x1] =	stream.indirect.gather [hbm4b:s4+s10], $0x20, s15, s10, $0xb8;
	[tilespmem:$0x1ADD0] =	vst v63  }
0x5d: {  	_ =	swait.ge [sflag:s17], $0x1000  }
0x5e: {  	[sflag:s17] =	ssyncset.done $0x0  }
0x5f: {  	[sflag:s17] =	ssyncadd.s32 $0xFFFFF000  }
0x60: {  	_ =	swait.ge [sflag:s17], $0x1000  }
0x61: {  	[sflag:s17] =	ssyncset.done $0x0  }
0x62: {  	[sflag:s17] =	ssyncadd.s32 $0xFFFFF000  }
0x63: {  	_ =	swait.ge [sflag:s17], $0x1000  }
0x64: {  	[sflag:s17] =	ssyncset.done $0x0  }
0x65: {  	[sflag:s17] =	ssyncadd.s32 $0xFFFFF000  }
0x66: {  	_ =	swait.ge [sflag:s17], $0x1000  }
0x67: {  	[sflag:s17] =	ssyncset.done $0x0  }
0x68: {  	[sflag:s17] =	ssyncadd.s32 $0xFFFFF000  }
0x69: {  	_ =	swait.ge [sflag:s17], $0x1000  }
0x6a: {  	[sflag:s17] =	ssyncset.done $0x0  }
0x6b: {  	[sflag:s17] =	ssyncadd.s32 $0xFFFFF000  }
0x6c: {  	_ =	swait.ge [sflag:s17], $0x1000  }
0x6d: {  	[sflag:s17] =	ssyncset.done $0x0  }
0x6e: {  	[sflag:s17] =	ssyncadd.s32 $0xFFFFF000  }
0x6f: {  	_ =	swait.ge [sflag:s17], $0x1000  }
0x70: {  	[sflag:s17] =	ssyncset.done $0x0  }
0x71: {  	[sflag:s17] =	ssyncadd.s32 $0xFFFFF000  }
0x72: {  	_ =	swait.ge [sflag:s17], $0x1000  }
0x73: {  	[sflag:s17] =	ssyncset.done $0x0  }
0x74: {  	[sflag:s17] =	ssyncadd.s32 $0xFFFFF000  }
0x75: {  	_ =	swait.ge [sflag:s17], $0x1000  }
0x76: {  	[sflag:s17] =	ssyncset.done $0x0  }
0x77: {  	[sflag:s17] =	ssyncadd.s32 $0xFFFFF000  }
0x78: {  	_ =	swait.ge [sflag:s17], $0x1000  }
0x79: {  	[sflag:s17] =	ssyncset.done $0x0  }
0x7a: {  	[sflag:s17] =	ssyncadd.s32 $0xFFFFF000  }
0x7b: {  	_ =	swait.ge [sflag:s17], $0x1000  }
0x7c: {  	[sflag:s17] =	ssyncset.done $0x0  }
0x7d: {  	[sflag:s17] =	ssyncadd.s32 $0xFFFFF000  }
0x7e: {  	_ =	swait.ge [sflag:s17], $0x1000  }
0x7f: {  	[sflag:s17] =	ssyncset.done $0x0  }
0x80: {  	[sflag:s17] =	ssyncadd.s32 $0xFFFFF000  }
0x81: {  	_ =	swait.ge [sflag:s17], $0x1000  }
0x82: {  	[sflag:s17] =	ssyncset.done $0x0  }
0x83: {  	[sflag:s17] =	ssyncadd.s32 $0xFFFFF000  }
0x84: {  	_ =	swait.ge [sflag:s17], $0x1000  }
0x85: {  	[sflag:s17] =	ssyncset.done $0x0  }
0x86: {  	[sflag:s17] =	ssyncadd.s32 $0xFFFFF000  }
0x87: {  	_ =	swait.ge [sflag:s17], $0x1000  }
0x88: {  	[sflag:s17] =	ssyncset.done $0x0  }
0x89: {  	[sflag:s17] =	ssyncadd.s32 $0xFFFFF000  }
0x8a: {  	_ =	swait.ge [sflag:s17], $0x1000  }
0x8b: {  	[sflag:s17] =	ssyncset.done $0x0  }
0x8c: {  	[sflag:s17] =	ssyncadd.s32 $0xFFFFF000  }
0x8d: {  	_ =	swait.ge [sflag:s17], $0x1000  }
0x8e: {  	[sflag:s17] =	ssyncset.done $0x0  }
0x8f: {  	[sflag:s17] =	ssyncadd.s32 $0xFFFFF000  }
0x90: {  	_ =	swait.ge [sflag:s17], $0x1000  }
0x91: {  	[sflag:s17] =	ssyncset.done $0x0  }
0x92: {  	[sflag:s17] =	ssyncadd.s32 $0xFFFFF000  }
0x93: {  	_ =	swait.ge [sflag:s17], $0x1000  }
0x94: {  	[sflag:s17] =	ssyncset.done $0x0  }
0x95: {  	[sflag:s17] =	ssyncadd.s32 $0xFFFFF000  }
0x96: {  	_ =	swait.ge [sflag:s17], $0x1000  }
0x97: {  	[sflag:s17] =	ssyncset.done $0x0  }
0x98: {  	[sflag:s17] =	ssyncadd.s32 $0xFFFFF000  }
0x99: {  	_ =	swait.ge [sflag:s17], $0x1000  }
0x9a: {  	[sflag:s17] =	ssyncset.done $0x0  }
0x9b: {  	[sflag:s17] =	ssyncadd.s32 $0xFFFFF000  }
0x9c: {  	_ =	swait.ge [sflag:s17], $0x1000  }
0x9d: {  	[sflag:s17] =	ssyncset.done $0x0  }
0x9e: {  	[sflag:s17] =	ssyncadd.s32 $0xFFFFF000  }
0x9f: {  	_ =	swait.ge [sflag:s17], $0x1000  }
0xa0: {  	[sflag:s17] =	ssyncset.done $0x0  }
0xa1: {  	[sflag:s17] =	ssyncadd.s32 $0xFFFFF000  }
0xa2: {  	_ =	swait.ge [sflag:s17], $0x1000  }
0xa3: {  	[sflag:s17] =	ssyncset.done $0x0  }
0xa4: {  	[sflag:s17] =	ssyncadd.s32 $0xFFFFF000  }
0xa5: {  	_ =	swait.ge [sflag:s17], $0x1000  }
0xa6: {  	[sflag:s17] =	ssyncset.done $0x0  }
0xa7: {  	[sflag:s17] =	ssyncadd.s32 $0xFFFFF000  }
0xa8: {  	s18 =	sadd.s32 $0x1, s18;
	_ =	swait.ge [sflag:s17], $0x1000  }
0xa9: {  	p0 =	sne.s32 s18, s7;
	[sflag:s17] =	ssyncset.done $0x0  }
.Ltmp1:
0xaa: {  	[sflag:s17] =	ssyncadd.s32 $0xFFFFF000;
	(pc) =	sbr.rel @p0 .LBB2_1-.Ltmp1, $4  }
0xab: {  	[hbm4b:s6+s2] =	stream.linear.scatter [tilespmem:s11], [sflag:$0x2], $0x1A000, $0x38;
	[tilespmem:$0x1ADD0] =	vst v63  }
0xac: {  	_ =	swait.ge [sflag:s8], $0x1A000  }
0xad: {  	[sflag:s8] =	ssyncset.done $0x0  }
0xae: {  	[sflag:s8] =	ssyncadd.s32 $0xFFFE6000  }
0xaf: {  	_ =	sfence.sel $0x180000  }
0xb0: {  	[bflag:$0x0] =	sbarrier.arrive $0xFFFF  }
0xb1: {  	_ =	strace $0x90000047  }
0xb2: {  	s0 =	stileid.u32;
	[bflag:$0x2] =	sbarrier.arrive $0xFFFF  }
0xb3: {  	p0 =	sne.s32 s0, $0x0;
	s0 =	rddreg [dreg:$0x2]  }
0xb4: {  	s0 =	sadd.s32 @!p0 $0x100000, s0  }
0xb5: {  	[sflag:s0] =	ssyncadd.tile.s32 @!p0 $0x1;
	_ =	shalt  }
.Lfunc_end2:
_tile_overlayer_lowered:
.L_overlay_start_2:
0xb6: {  	(tag) =	ssettag $0x2  }
0xb7: {  	s0 =	rddreg [dreg:$0x0];
	s2 =	stileid.u32  }
0xb8: {  	s1 =	rddreg [dreg:$0x1];
	p0 =	sne.s32 s2, $0x0  }
0xb9: {  	s3 =	rddreg [dreg:$0x2];
	[bflag:$0x3] =	sbarrier.arrive $0xFFFF;
	s2 =	simm.s32 @!p0 $0x1C02  }
0xba: {  	[timem:s3], [sflag:s2] =	dma.local @!p0 [hbm:s0], s1  }
0xbb: {  	s0 =	simm.s32 @!p0 $0x2  }
0xbc: {  	_ =	swait.ge @!p0 [sflag:s0], s1  }
0xbd: {  	s1 =	ssub.s32 @!p0 $0x0, s1;
	[sflag:s0] =	ssyncset.done @!p0 $0x0  }
0xbe: {  	[sflag:s0] =	ssyncadd.s32 @!p0 s1  }
0xbf: {  	[bflag:$0x3] =	sbarrier.arrive $0xFFFF  }
0xc0: {  	_ =	shalt  }

</sc_bundles>
